<compile_context>
chip_gen: v7x
topology: tpu7x:2x2x1
jax: 0.10.2.dev20260603
libtpu: 0.0.44.dev20260713+nightly
codegen_flags: <defaults>
</compile_context>

<pallas_src>
import dataclasses

import jax
import jax.numpy as jnp
from jax.experimental import pallas as pl
from jax.experimental.pallas import tpu as pltpu
from jax.experimental.pallas import tpu_sc as plsc

_SC_PARAMS = pltpu.CompilerParams()
if "needs_layout_passes" in pltpu.CompilerParams.__dataclass_fields__:
    _SC_PARAMS = dataclasses.replace(_SC_PARAMS, needs_layout_passes=False)

_K = 512
_BETA = 1.0
_F = 32768
_B = 64
_NSL = _F // 16
_NMX = _NSL // 16


def _to_f32_vec(c):
    bits = c ^ ((c >> 31) & jnp.int32(0x7FFFFFFF))
    return plsc.bitcast(bits, jnp.float32)


def _splat_i32(x):
    return jnp.full((16,), x, jnp.int32)


def _count_ge(buf, nsl, cand_f):
    def body(i, acc):
        v = buf[pl.ds(i * 16, 16)]
        return acc + jnp.where(v >= cand_f, 1, 0).astype(jnp.int32)
    acc = jax.lax.fori_loop(0, nsl, body, jnp.zeros((16,), jnp.int32))
    return jnp.sum(acc)


def _greedy(buf, nsl, nbits, k):
    cnt_pos = _count_ge(buf, nsl, jnp.zeros((16,), jnp.float32))
    t = jnp.where(cnt_pos >= k, jnp.int32(0), jnp.int32(-2147483648))

    def body(i, t):
        b = jnp.int32(30) - i
        cand = t | (jnp.int32(1) << b)
        cnt = _count_ge(buf, nsl, _to_f32_vec(_splat_i32(cand)))
        return jnp.where(cnt >= k, cand, t)

    return jax.lax.fori_loop(0, nbits, body, t)


def _sc_thresh(boosted):
    mesh = plsc.VectorSubcoreMesh(core_axis_name="c", subcore_axis_name="s")

    @pl.kernel(
        out_type=jax.ShapeDtypeStruct((_B, 16), jnp.float32),
        mesh=mesh,
        scratch_types=[
            pltpu.VMEM((_F,), jnp.float32),
            pltpu.VMEM((_F + 16,), jnp.float32),
            pltpu.VMEM((_NSL,), jnp.float32),
            pltpu.VMEM((16,), jnp.float32),
            pltpu.SemaphoreType.DMA,
        ],
        compiler_params=_SC_PARAMS,
    )
    def sc_kernel(x_hbm, o_hbm, row, cand, mx, tbuf, sem):
        gid = jax.lax.axis_index("c") * 16 + jax.lax.axis_index("s")

        @pl.loop(0, 2)
        def _(which):
            r = gid * 2 + which
            pltpu.async_copy(x_hbm.at[r], row, sem).wait()

            @pl.loop(0, _NMX)
            def _(p):
                def mbody(q, acc):
                    v = row[pl.ds((p * 16 + q) * 16, 16)]
                    return jnp.maximum(acc, v)
                acc = jax.lax.fori_loop(
                    0, 16, mbody, jnp.full((16,), -jnp.inf, jnp.float32))
                mx[pl.ds(p * 16, 16)] = acc

            t_low = _greedy(mx, _NMX, 13, _K)
            tlow_f = _to_f32_vec(_splat_i32(t_low))

            def cbody(s, off):
                v = row[pl.ds(s * 16, 16)]
                m = v >= tlow_f
                pos = plsc.cumsum(m.astype(jnp.int32))
                idx = off + pos - 1
                plsc.store_scatter(cand, [idx], v, mask=m)
                return off + plsc.all_reduce_population_count(m)
            off = jax.lax.fori_loop(0, _NSL, cbody, jnp.zeros((16,), jnp.int32))
            mtot = jnp.max(off)

            pad_idx = mtot + jax.lax.iota(jnp.int32, 16)
            plsc.store_scatter(cand, [pad_idx],
                               jnp.full((16,), -jnp.inf, jnp.float32))

            ncsl = (mtot + 15) // 16
            t = _greedy(cand, ncsl, 31, _K)
            tbuf[...] = _to_f32_vec(_splat_i32(t))
            pltpu.async_copy(tbuf, o_hbm.at[r], sem).wait()

    return sc_kernel(boosted)


def _boost_kernel(x_ref, dc_ref, out_ref):
    target = jnp.float32(_K / _F)
    boost = jnp.exp(_BETA * (target - dc_ref[...]))
    out_ref[...] = x_ref[...] * boost


def _mask_kernel(x_ref, dc_ref, t_ref, out_ref):
    target = jnp.float32(_K / _F)
    boost = jnp.exp(_BETA * (target - dc_ref[...]))
    boosted = x_ref[...] * boost
    out_ref[...] = jnp.where(boosted >= t_ref[...], x_ref[...],
                             jnp.float32(0.0))


def kernel(inputs, duty_cycle):
    b, f = inputs.shape
    dc2 = duty_cycle.reshape(1, f)
    boosted = pl.pallas_call(
        _boost_kernel,
        out_shape=jax.ShapeDtypeStruct((b, f), jnp.float32),
    )(inputs, dc2)
    thresh = _sc_thresh(boosted)
    return pl.pallas_call(
        _mask_kernel,
        out_shape=jax.ShapeDtypeStruct((b, f), jnp.float32),
    )(inputs, dc2, thresh[:, :1])

# --- scband reference (transcript-rebuilt; emitter-appended) ---
"""Pipeline reference for scband-kwinner-9758165696865 (READ-ONLY COPY).

The authoritative reference and input builder live on the scoring server;
editing this copy changes nothing except your own understanding.
"""

import jax, jax.numpy as jnp
import numpy as np

K = 512
BETA = 1.0

def flat_kwinner_mask(boosted, k):
    # top-k over the flattened non-batch dims (inputs are already [B, F])
    vals, _ = jax.lax.top_k(boosted, k)
    thresh = vals[..., -1:]
    return boosted >= thresh

def setup_inputs(seed: int = 0) -> dict:
    key = jax.random.key(seed)
    k1, _ = jax.random.split(key)
    inputs = jax.random.normal(k1, (64, 32768), dtype=jnp.float32)
    # duty_cycle buffer initialized to zeros as in _initialize()
    duty_cycle = jnp.zeros((32768,), dtype=jnp.float32)
    return {"inputs": inputs, "duty_cycle": duty_cycle}

def reference(inputs, duty_cycle):
    units = inputs.shape[-1]  # prod of non-batch dims for 2D input
    k = K  # training mode: k (k_inference_factor=1.0 anyway)
    target_duty_cycle = jnp.float32(k / units)
    # boost=True branch
    boost_term = jnp.exp(BETA * (target_duty_cycle - duty_cycle))
    boosted_inputs = inputs * boost_term
    boolean_mask = flat_kwinner_mask(boosted_inputs, k)
    # duty_cycle update is a training-time buffer side effect; output below matches forward return
    return jnp.where(boolean_mask, inputs, jnp.float32(0.0))

if __name__ == "__main__":
    import jax
    _d = setup_inputs()
    print(jax.jit(kernel)(*tuple(_d.values())))

</pallas_src>

<mosaic_0001>
#map = affine_map<(d0, d1) -> (0, 0)>
module attributes {stable_mosaic.version = 14 : i64} {
  func.func @sc_kernel(%arg0: i32, %arg1: i32, %arg2: memref<64x32768xf32, #tpu.memory_space<hbm>>, %arg3: memref<64x16xf32, #tpu.memory_space<hbm>>, %arg4: memref<32768xf32, #tpu.memory_space<vmem>>, %arg5: memref<32784xf32, #tpu.memory_space<vmem>>, %arg6: memref<2048xf32, #tpu.memory_space<vmem>>, %arg7: memref<16xf32, #tpu.memory_space<vmem>>, %arg8: memref<!tpu.dma_semaphore, #tpu.memory_space<semaphore_mem>>) attributes {dimension_semantics = [#tpu.dimension_semantics<core_parallel>, #tpu.dimension_semantics<subcore_parallel>], iteration_bounds = array<i64: 2, 16>, scalar_prefetch = 0 : i64, scratch_operands = 5 : i64, tpu.core_type = #tpu.core_type<sc_vector_subcore>, window_params = [{transform_indices = #map}, {transform_indices = #map}]} {
    %mul3A = arith.constant 16 : i32
    %mul3A_0 = arith.muli %arg0, %mul3A : i32
    %add3A = arith.addi %mul3A_0, %arg1 : i32
    %scan3A = arith.constant 0 : i32
    %scan3A_1 = arith.constant 2 : i32
    %scan3A_2 = arith.addi %scan3A, %scan3A_1 : i32
    %scan3A_3 = arith.constant 1 : i32
    scf.for %scan3A_5 = %scan3A to %scan3A_2 step %scan3A_3  : i32 {
      %mul3A_6 = arith.constant 1 : i32
      %mul3A_7 = arith.muli %scan3A_5, %mul3A_6 : i32
      %add3A_8 = arith.constant 0 : i32
      %add3A_9 = arith.addi %add3A_8, %mul3A_7 : i32
      %mul3A_10 = arith.constant 2 : i32
      %mul3A_11 = arith.muli %add3A, %mul3A_10 : i32
      %add3A_12 = arith.addi %mul3A_11, %add3A_9 : i32
      %dma_start3A = arith.constant 0 : i32
      %dma_start3A_13 = tpu.memref_slice %arg2[%add3A_12, %dma_start3A] : memref<64x32768xf32, #tpu.memory_space<hbm>> -> memref<1x32768xf32, #tpu.memory_space<hbm>>
      %dma_start3A_14 = tpu.memref_squeeze %dma_start3A_13 : memref<1x32768xf32, #tpu.memory_space<hbm>> -> memref<32768xf32, #tpu.memory_space<hbm>>
      %dma_start3A_15 = arith.constant 0 : i32
      %dma_start3A_16 = tpu.memref_slice %arg2[%add3A_12, %dma_start3A_15] : memref<64x32768xf32, #tpu.memory_space<hbm>> -> memref<1x32768xf32, #tpu.memory_space<hbm>>
      %dma_start3A_17 = tpu.memref_squeeze %dma_start3A_16 : memref<1x32768xf32, #tpu.memory_space<hbm>> -> memref<32768xf32, #tpu.memory_space<hbm>>
      tpu.enqueue_dma source(%dma_start3A_17 : memref<32768xf32, #tpu.memory_space<hbm>>) target(%arg4 : memref<32768xf32, #tpu.memory_space<vmem>>) target_semaphore(%arg8 : memref<!tpu.dma_semaphore, #tpu.memory_space<semaphore_mem>>)
      %dma_wait3A = arith.constant 0 : i32
      %dma_wait3A_18 = tpu.memref_slice %arg2[%add3A_12, %dma_wait3A] : memref<64x32768xf32, #tpu.memory_space<hbm>> -> memref<1x32768xf32, #tpu.memory_space<hbm>>
      %dma_wait3A_19 = tpu.memref_squeeze %dma_wait3A_18 : memref<1x32768xf32, #tpu.memory_space<hbm>> -> memref<32768xf32, #tpu.memory_space<hbm>>
      %dma_wait3A_20 = arith.constant 0 : i32
      %dma_wait3A_21 = tpu.memref_slice %arg2[%add3A_12, %dma_wait3A_20] : memref<64x32768xf32, #tpu.memory_space<hbm>> -> memref<1x32768xf32, #tpu.memory_space<hbm>>
      %dma_wait3A_22 = tpu.memref_squeeze %dma_wait3A_21 : memref<1x32768xf32, #tpu.memory_space<hbm>> -> memref<32768xf32, #tpu.memory_space<hbm>>
      tpu.wait_dma2 semaphore(%arg8 : memref<!tpu.dma_semaphore, #tpu.memory_space<semaphore_mem>>) src(%dma_wait3A_22 : memref<32768xf32, #tpu.memory_space<hbm>>) dst(%arg4 : memref<32768xf32, #tpu.memory_space<vmem>>)
      %scan3A_23 = arith.constant 0 : i32
      %scan3A_24 = arith.constant 128 : i32
      %scan3A_25 = arith.addi %scan3A_23, %scan3A_24 : i32
      %scan3A_26 = arith.constant 1 : i32
      scf.for %scan3A_144 = %scan3A_23 to %scan3A_25 step %scan3A_26  : i32 {
        %mul3A_145 = arith.constant 1 : i32
        %mul3A_146 = arith.muli %scan3A_144, %mul3A_145 : i32
        %add3A_147 = arith.constant 0 : i32
        %add3A_148 = arith.addi %add3A_147, %mul3A_146 : i32
        %broadcast_in_dim3A_149 = arith.constant 0xFF800000 : f32
        %broadcast_in_dim3A_150 = vector.broadcast %broadcast_in_dim3A_149 : f32 to vector<16xf32>
        %scan3A_151 = arith.constant 0 : i32
        %scan3A_152 = arith.constant 16 : i32
        %scan3A_153 = arith.addi %scan3A_151, %scan3A_152 : i32
        %scan3A_154 = arith.constant 1 : i32
        %scan3A_155 = scf.for %scan3A_161 = %scan3A_151 to %scan3A_153 step %scan3A_154 iter_args(%scan3A_162 = %broadcast_in_dim3A_150) -> (vector<16xf32>)  : i32 {
          %mul3A_163 = arith.constant 16 : i32
          %mul3A_164 = arith.muli %add3A_148, %mul3A_163 : i32
          %add3A_165 = arith.addi %mul3A_164, %scan3A_161 : i32
          %mul3A_166 = arith.constant 16 : i32
          %mul3A_167 = arith.muli %add3A_165, %mul3A_166 : i32
          %get3A = arith.index_cast %mul3A_167 : i32 to index
          %get3A_168 = tpu.vector_load %arg4[%get3A] {strides = array<i32>} : memref<32768xf32, #tpu.memory_space<vmem>>, vector<16xf32>,
          %max3A = arith.maximumf %scan3A_162, %get3A_168 : vector<16xf32>
          scf.yield %max3A : vector<16xf32>
        }
        %scan3A_156 = arith.constant 16 : i32
        %mul3A_157 = arith.constant 16 : i32
        %mul3A_158 = arith.muli %add3A_148, %mul3A_157 : i32
        %swap3A_159 = arith.index_cast %mul3A_158 : i32 to index
        %swap3A_160 = tpu.vector_load %arg6[%swap3A_159] {strides = array<i32>} : memref<2048xf32, #tpu.memory_space<vmem>>, vector<16xf32>,
        tpu.vector_store %arg6[%swap3A_159], %scan3A_155 {strides = array<i32>} : memref<2048xf32, #tpu.memory_space<vmem>>, vector<16xf32>,
      }
      %scan3A_27 = arith.constant 128 : i32
      %broadcast_in_dim3A = arith.constant 0.000000e+00 : f32
      %broadcast_in_dim3A_28 = vector.broadcast %broadcast_in_dim3A : f32 to vector<16xf32>
      %broadcast_in_dim3A_29 = arith.constant 0 : i32
      %broadcast_in_dim3A_30 = vector.broadcast %broadcast_in_dim3A_29 : i32 to vector<16xi32>
      %scan3A_31 = arith.constant 0 : i32
      %scan3A_32 = arith.constant 128 : i32
      %scan3A_33 = arith.addi %scan3A_31, %scan3A_32 : i32
      %scan3A_34 = arith.constant 1 : i32
      %scan3A_35 = scf.for %scan3A_144 = %scan3A_31 to %scan3A_33 step %scan3A_34 iter_args(%scan3A_145 = %broadcast_in_dim3A_30) -> (vector<16xi32>)  : i32 {
        %mul3A_146 = arith.constant 16 : i32
        %mul3A_147 = arith.muli %scan3A_144, %mul3A_146 : i32
        %get3A = arith.index_cast %mul3A_147 : i32 to index
        %get3A_148 = tpu.vector_load %arg6[%get3A] {strides = array<i32>} : memref<2048xf32, #tpu.memory_space<vmem>>, vector<16xf32>,
        %ge3A_149 = arith.cmpf oge, %get3A_148, %broadcast_in_dim3A_28 : vector<16xf32>
        %jit3A_150 = arith.constant 1 : i32
        %jit3A_151 = arith.constant 0 : i32
        %broadcast_in_dim3A_152 = vector.broadcast %jit3A_150 : i32 to vector<16xi32>
        %broadcast_in_dim3A_153 = vector.broadcast %jit3A_151 : i32 to vector<16xi32>
        %select_n3A_154 = arith.select %ge3A_149, %broadcast_in_dim3A_152, %broadcast_in_dim3A_153 : vector<16xi1>, vector<16xi32>
        %add3A_155 = arith.addi %scan3A_145, %select_n3A_154 : vector<16xi32>
        scf.yield %add3A_155 : vector<16xi32>
      }
      %scan3A_36 = arith.constant 128 : i32
      %reduce_sum3A = arith.constant true
      %reduce_sum3A_37 = vector.broadcast %reduce_sum3A : i1 to vector<16xi1>
      %reduce_sum3A_38 = tpu.scan <sum>, %scan3A_35 masked %reduce_sum3A_37 : vector<16xi32>, vector<16xi1> -> vector<16xi32>
      %reduce_sum3A_39 = vector.extract %reduce_sum3A_38[15] : i32 from vector<16xi32>
      %ge3A = arith.constant 512 : i32
      %ge3A_40 = arith.cmpi sge, %reduce_sum3A_39, %ge3A : i32
      %jit3A = arith.constant 0 : i32
      %jit3A_41 = arith.constant -2147483648 : i32
      %select_n3A = arith.select %ge3A_40, %jit3A, %jit3A_41 : i32
      %scan3A_42 = arith.constant 0 : i32
      %scan3A_43 = arith.constant 13 : i32
      %scan3A_44 = arith.addi %scan3A_42, %scan3A_43 : i32
      %scan3A_45 = arith.constant 1 : i32
      %scan3A_46 = scf.for %scan3A_144 = %scan3A_42 to %scan3A_44 step %scan3A_45 iter_args(%scan3A_145 = %select_n3A) -> (i32)  : i32 {
        %sub3A_146 = arith.constant 30 : i32
        %sub3A_147 = arith.subi %sub3A_146, %scan3A_144 : i32
        %shift_left3A = arith.constant 1 : i32
        %shift_left3A_148 = arith.shli %shift_left3A, %sub3A_147 : i32
        %or3A = arith.ori %scan3A_145, %shift_left3A_148 : i32
        %broadcast_in_dim3A_149 = vector.broadcast %or3A : i32 to vector<16xi32>
        %shift_right_arithmetic3A_150 = arith.constant 31 : i32
        %shift_right_arithmetic3A_151 = vector.broadcast %shift_right_arithmetic3A_150 : i32 to vector<16xi32>
        %shift_right_arithmetic3A_152 = arith.shrsi %broadcast_in_dim3A_149, %shift_right_arithmetic3A_151 : vector<16xi32>
        %and3A_153 = arith.constant 2147483647 : i32
        %and3A_154 = vector.broadcast %and3A_153 : i32 to vector<16xi32>
        %and3A_155 = arith.andi %shift_right_arithmetic3A_152, %and3A_154 : vector<16xi32>
        %xor3A_156 = arith.xori %broadcast_in_dim3A_149, %and3A_155 : vector<16xi32>
        %bitcast3A_157 = vector.bitcast %xor3A_156 : vector<16xi32> to vector<16xf32>
        %broadcast_in_dim3A_158 = arith.constant 0 : i32
        %broadcast_in_dim3A_159 = vector.broadcast %broadcast_in_dim3A_158 : i32 to vector<16xi32>
        %scan3A_160 = arith.constant 0 : i32
        %scan3A_161 = arith.constant 128 : i32
        %scan3A_162 = arith.addi %scan3A_160, %scan3A_161 : i32
        %scan3A_163 = arith.constant 1 : i32
        %scan3A_164 = scf.for %scan3A_173 = %scan3A_160 to %scan3A_162 step %scan3A_163 iter_args(%scan3A_174 = %broadcast_in_dim3A_159) -> (vector<16xi32>)  : i32 {
          %mul3A_175 = arith.constant 16 : i32
          %mul3A_176 = arith.muli %scan3A_173, %mul3A_175 : i32
          %get3A = arith.index_cast %mul3A_176 : i32 to index
          %get3A_177 = tpu.vector_load %arg6[%get3A] {strides = array<i32>} : memref<2048xf32, #tpu.memory_space<vmem>>, vector<16xf32>,
          %ge3A_178 = arith.cmpf oge, %get3A_177, %bitcast3A_157 : vector<16xf32>
          %jit3A_179 = arith.constant 1 : i32
          %jit3A_180 = arith.constant 0 : i32
          %broadcast_in_dim3A_181 = vector.broadcast %jit3A_179 : i32 to vector<16xi32>
          %broadcast_in_dim3A_182 = vector.broadcast %jit3A_180 : i32 to vector<16xi32>
          %select_n3A_183 = arith.select %ge3A_178, %broadcast_in_dim3A_181, %broadcast_in_dim3A_182 : vector<16xi1>, vector<16xi32>
          %add3A_184 = arith.addi %scan3A_174, %select_n3A_183 : vector<16xi32>
          scf.yield %add3A_184 : vector<16xi32>
        }
        %scan3A_165 = arith.constant 128 : i32
        %reduce_sum3A_166 = arith.constant true
        %reduce_sum3A_167 = vector.broadcast %reduce_sum3A_166 : i1 to vector<16xi1>
        %reduce_sum3A_168 = tpu.scan <sum>, %scan3A_164 masked %reduce_sum3A_167 : vector<16xi32>, vector<16xi1> -> vector<16xi32>
        %reduce_sum3A_169 = vector.extract %reduce_sum3A_168[15] : i32 from vector<16xi32>
        %ge3A_170 = arith.constant 512 : i32
        %ge3A_171 = arith.cmpi sge, %reduce_sum3A_169, %ge3A_170 : i32
        %select_n3A_172 = arith.select %ge3A_171, %or3A, %scan3A_145 : i32
        scf.yield %select_n3A_172 : i32
      }
      %scan3A_47 = arith.constant 13 : i32
      %broadcast_in_dim3A_48 = vector.broadcast %scan3A_46 : i32 to vector<16xi32>
      %shift_right_arithmetic3A = arith.constant 31 : i32
      %shift_right_arithmetic3A_49 = vector.broadcast %shift_right_arithmetic3A : i32 to vector<16xi32>
      %shift_right_arithmetic3A_50 = arith.shrsi %broadcast_in_dim3A_48, %shift_right_arithmetic3A_49 : vector<16xi32>
      %and3A = arith.constant 2147483647 : i32
      %and3A_51 = vector.broadcast %and3A : i32 to vector<16xi32>
      %and3A_52 = arith.andi %shift_right_arithmetic3A_50, %and3A_51 : vector<16xi32>
      %xor3A = arith.xori %broadcast_in_dim3A_48, %and3A_52 : vector<16xi32>
      %bitcast3A = vector.bitcast %xor3A : vector<16xi32> to vector<16xf32>
      %broadcast_in_dim3A_53 = arith.constant 0 : i32
      %broadcast_in_dim3A_54 = vector.broadcast %broadcast_in_dim3A_53 : i32 to vector<16xi32>
      %scan3A_55 = arith.constant 0 : i32
      %scan3A_56 = arith.constant 2048 : i32
      %scan3A_57 = arith.addi %scan3A_55, %scan3A_56 : i32
      %scan3A_58 = arith.constant 1 : i32
      %scan3A_59 = scf.for %scan3A_144 = %scan3A_55 to %scan3A_57 step %scan3A_58 iter_args(%scan3A_145 = %broadcast_in_dim3A_54) -> (vector<16xi32>)  : i32 {
        %mul3A_146 = arith.constant 16 : i32
        %mul3A_147 = arith.muli %scan3A_144, %mul3A_146 : i32
        %get3A = arith.index_cast %mul3A_147 : i32 to index
        %get3A_148 = tpu.vector_load %arg4[%get3A] {strides = array<i32>} : memref<32768xf32, #tpu.memory_space<vmem>>, vector<16xf32>,
        %ge3A_149 = arith.cmpf oge, %get3A_148, %bitcast3A : vector<16xf32>
        %convert_element_type3A = arith.extui %ge3A_149 : vector<16xi1> to vector<16xi32>
        %broadcast_in_dim3A_150 = arith.constant true
        %broadcast_in_dim3A_151 = vector.broadcast %broadcast_in_dim3A_150 : i1 to vector<16xi1>
        %masked_cumsum3A = tpu.scan <sum>, %convert_element_type3A masked %broadcast_in_dim3A_151 : vector<16xi32>, vector<16xi1> -> vector<16xi32>
        %add3A_152 = arith.addi %scan3A_145, %masked_cumsum3A : vector<16xi32>
        %sub3A_153 = arith.constant 1 : i32
        %sub3A_154 = vector.broadcast %sub3A_153 : i32 to vector<16xi32>
        %sub3A_155 = arith.subi %add3A_152, %sub3A_154 : vector<16xi32>
        tpu.vector_store_idx %arg5[%sub3A_155], %get3A_148 masked %ge3A_149 : memref<32784xf32, #tpu.memory_space<vmem>>[vector<16xi32>], vector<16xf32>, vector<16xi1>
        %all_reduce_population_count3A = tpu.all_reduce %ge3A_149 {dim = 0 : i64, kind = #tpu.reduction_kind<sum>} : vector<16xi1> -> vector<16xi32>
        %add3A_156 = arith.addi %scan3A_145, %all_reduce_population_count3A : vector<16xi32>
        scf.yield %add3A_156 : vector<16xi32>
      }
      %scan3A_60 = arith.constant 2048 : i32
      %reduce_max3A = arith.constant true
      %reduce_max3A_61 = vector.broadcast %reduce_max3A : i1 to vector<16xi1>
      %reduce_max3A_62 = arith.constant -2147483648 : i32
      %reduce_max3A_63 = vector.broadcast %reduce_max3A_62 : i32 to vector<16xi32>
      %reduce_max3A_64 = arith.xori %scan3A_59, %reduce_max3A_63 : vector<16xi32>
      %reduce_max3A_65 = tpu.scan <max>, %reduce_max3A_64 masked %reduce_max3A_61 : vector<16xi32>, vector<16xi1> -> vector<16xi32>
      %reduce_max3A_66 = arith.xori %reduce_max3A_65, %reduce_max3A_63 : vector<16xi32>
      %reduce_max3A_67 = vector.extract %reduce_max3A_66[15] : i32 from vector<16xi32>
      %iota3A = tpu.iota {dimensions = array<i32: 0>} : vector<16xi32>
      %add3A_68 = vector.broadcast %reduce_max3A_67 : i32 to vector<16xi32>
      %add3A_69 = arith.addi %add3A_68, %iota3A : vector<16xi32>
      %broadcast_in_dim3A_70 = arith.constant 0xFF800000 : f32
      %broadcast_in_dim3A_71 = vector.broadcast %broadcast_in_dim3A_70 : f32 to vector<16xf32>
      tpu.vector_store_idx %arg5[%add3A_69], %broadcast_in_dim3A_71 : memref<32784xf32, #tpu.memory_space<vmem>>[vector<16xi32>], vector<16xf32>,
      %add3A_72 = arith.constant 15 : i32
      %add3A_73 = arith.addi %reduce_max3A_67, %add3A_72 : i32
      %jit3A_74 = arith.constant 16 : i32
      %div3A = arith.divsi %add3A_73, %jit3A_74 : i32
      %sign3A = arith.constant 0 : i32
      %sign3A_75 = arith.cmpi sgt, %add3A_73, %sign3A : i32
      %sign3A_76 = arith.extui %sign3A_75 : i1 to i32
      %sign3A_77 = arith.constant 0 : i32
      %sign3A_78 = arith.cmpi slt, %add3A_73, %sign3A_77 : i32
      %sign3A_79 = arith.extui %sign3A_78 : i1 to i32
      %sign3A_80 = arith.subi %sign3A_76, %sign3A_79 : i32
      %sign3A_81 = arith.constant 0 : i32
      %sign3A_82 = arith.cmpi sgt, %jit3A_74, %sign3A_81 : i32
      %sign3A_83 = arith.extui %sign3A_82 : i1 to i32
      %sign3A_84 = arith.constant 0 : i32
      %sign3A_85 = arith.cmpi slt, %jit3A_74, %sign3A_84 : i32
      %sign3A_86 = arith.extui %sign3A_85 : i1 to i32
      %sign3A_87 = arith.subi %sign3A_83, %sign3A_86 : i32
      %ne3A = arith.cmpi ne, %sign3A_80, %sign3A_87 : i32
      %rem3A = arith.remsi %add3A_73, %jit3A_74 : i32
      %ne3A_88 = arith.constant 0 : i32
      %ne3A_89 = arith.cmpi ne, %rem3A, %ne3A_88 : i32
      %and3A_90 = arith.andi %ne3A, %ne3A_89 : i1
      %sub3A = arith.constant 1 : i32
      %sub3A_91 = arith.subi %div3A, %sub3A : i32
      %select_n3A_92 = arith.select %and3A_90, %sub3A_91, %div3A : i32
      %broadcast_in_dim3A_93 = arith.constant 0.000000e+00 : f32
      %broadcast_in_dim3A_94 = vector.broadcast %broadcast_in_dim3A_93 : f32 to vector<16xf32>
      %broadcast_in_dim3A_95 = arith.constant 0 : i32
      %broadcast_in_dim3A_96 = vector.broadcast %broadcast_in_dim3A_95 : i32 to vector<16xi32>
      %while3A = arith.constant 0 : i32
      %while3A_97 = arith.subi %select_n3A_92, %while3A : i32
      %while3A_98 = arith.addi %while3A, %while3A_97 : i32
      %while3A_99 = arith.constant 1 : i32
      %while3A_100 = arith.divsi %while3A_97, %while3A_99 : i32
      %while3A_101 = arith.muli %while3A_100, %while3A_99 : i32
      %while3A_102 = arith.addi %while3A, %while3A_101 : i32
      %while3A_103 = arith.constant 1 : i32
      %while3A_104 = scf.for %while3A_144 = %while3A to %while3A_102 step %while3A_103 iter_args(%while3A_145 = %broadcast_in_dim3A_96) -> (vector<16xi32>)  : i32 {
        %mul3A_146 = arith.constant 16 : i32
        %mul3A_147 = arith.muli %while3A_144, %mul3A_146 : i32
        %get3A = arith.index_cast %mul3A_147 : i32 to index
        %get3A_148 = tpu.vector_load %arg5[%get3A] {strides = array<i32>} : memref<32784xf32, #tpu.memory_space<vmem>>, vector<16xf32>,
        %ge3A_149 = arith.cmpf oge, %get3A_148, %broadcast_in_dim3A_94 : vector<16xf32>
        %jit3A_150 = arith.constant 1 : i32
        %jit3A_151 = arith.constant 0 : i32
        %broadcast_in_dim3A_152 = vector.broadcast %jit3A_150 : i32 to vector<16xi32>
        %broadcast_in_dim3A_153 = vector.broadcast %jit3A_151 : i32 to vector<16xi32>
        %select_n3A_154 = arith.select %ge3A_149, %broadcast_in_dim3A_152, %broadcast_in_dim3A_153 : vector<16xi1>, vector<16xi32>
        %add3A_155 = arith.addi %while3A_145, %select_n3A_154 : vector<16xi32>
        scf.yield %add3A_155 : vector<16xi32>
      }
      %while3A_105 = arith.constant 1 : i32
      %while3A_106 = scf.for %while3A_144 = %while3A_102 to %while3A_98 step %while3A_105 iter_args(%while3A_145 = %while3A_104) -> (vector<16xi32>)  : i32 {
        %mul3A_146 = arith.constant 16 : i32
        %mul3A_147 = arith.muli %while3A_144, %mul3A_146 : i32
        %get3A = arith.index_cast %mul3A_147 : i32 to index
        %get3A_148 = tpu.vector_load %arg5[%get3A] {strides = array<i32>} : memref<32784xf32, #tpu.memory_space<vmem>>, vector<16xf32>,
        %ge3A_149 = arith.cmpf oge, %get3A_148, %broadcast_in_dim3A_94 : vector<16xf32>
        %jit3A_150 = arith.constant 1 : i32
        %jit3A_151 = arith.constant 0 : i32
        %broadcast_in_dim3A_152 = vector.broadcast %jit3A_150 : i32 to vector<16xi32>
        %broadcast_in_dim3A_153 = vector.broadcast %jit3A_151 : i32 to vector<16xi32>
        %select_n3A_154 = arith.select %ge3A_149, %broadcast_in_dim3A_152, %broadcast_in_dim3A_153 : vector<16xi1>, vector<16xi32>
        %add3A_155 = arith.addi %while3A_145, %select_n3A_154 : vector<16xi32>
        scf.yield %add3A_155 : vector<16xi32>
      }
      %reduce_sum3A_107 = arith.constant true
      %reduce_sum3A_108 = vector.broadcast %reduce_sum3A_107 : i1 to vector<16xi1>
      %reduce_sum3A_109 = tpu.scan <sum>, %while3A_106 masked %reduce_sum3A_108 : vector<16xi32>, vector<16xi1> -> vector<16xi32>
      %reduce_sum3A_110 = vector.extract %reduce_sum3A_109[15] : i32 from vector<16xi32>
      %ge3A_111 = arith.constant 512 : i32
      %ge3A_112 = arith.cmpi sge, %reduce_sum3A_110, %ge3A_111 : i32
      %jit3A_113 = arith.constant 0 : i32
      %jit3A_114 = arith.constant -2147483648 : i32
      %select_n3A_115 = arith.select %ge3A_112, %jit3A_113, %jit3A_114 : i32
      %scan3A_116 = arith.constant 0 : i32
      %scan3A_117 = arith.constant 31 : i32
      %scan3A_118 = arith.addi %scan3A_116, %scan3A_117 : i32
      %scan3A_119 = arith.constant 1 : i32
      %scan3A_120 = scf.for %scan3A_144 = %scan3A_116 to %scan3A_118 step %scan3A_119 iter_args(%scan3A_145 = %select_n3A_115) -> (i32)  : i32 {
        %sub3A_146 = arith.constant 30 : i32
        %sub3A_147 = arith.subi %sub3A_146, %scan3A_144 : i32
        %shift_left3A = arith.constant 1 : i32
        %shift_left3A_148 = arith.shli %shift_left3A, %sub3A_147 : i32
        %or3A = arith.ori %scan3A_145, %shift_left3A_148 : i32
        %broadcast_in_dim3A_149 = vector.broadcast %or3A : i32 to vector<16xi32>
        %shift_right_arithmetic3A_150 = arith.constant 31 : i32
        %shift_right_arithmetic3A_151 = vector.broadcast %shift_right_arithmetic3A_150 : i32 to vector<16xi32>
        %shift_right_arithmetic3A_152 = arith.shrsi %broadcast_in_dim3A_149, %shift_right_arithmetic3A_151 : vector<16xi32>
        %and3A_153 = arith.constant 2147483647 : i32
        %and3A_154 = vector.broadcast %and3A_153 : i32 to vector<16xi32>
        %and3A_155 = arith.andi %shift_right_arithmetic3A_152, %and3A_154 : vector<16xi32>
        %xor3A_156 = arith.xori %broadcast_in_dim3A_149, %and3A_155 : vector<16xi32>
        %bitcast3A_157 = vector.bitcast %xor3A_156 : vector<16xi32> to vector<16xf32>
        %broadcast_in_dim3A_158 = arith.constant 0 : i32
        %broadcast_in_dim3A_159 = vector.broadcast %broadcast_in_dim3A_158 : i32 to vector<16xi32>
        %while3A_160 = arith.constant 0 : i32
        %while3A_161 = arith.subi %select_n3A_92, %while3A_160 : i32
        %while3A_162 = arith.addi %while3A_160, %while3A_161 : i32
        %while3A_163 = arith.constant 1 : i32
        %while3A_164 = arith.divsi %while3A_161, %while3A_163 : i32
        %while3A_165 = arith.muli %while3A_164, %while3A_163 : i32
        %while3A_166 = arith.addi %while3A_160, %while3A_165 : i32
        %while3A_167 = arith.constant 1 : i32
        %while3A_168 = scf.for %while3A_178 = %while3A_160 to %while3A_166 step %while3A_167 iter_args(%while3A_179 = %broadcast_in_dim3A_159) -> (vector<16xi32>)  : i32 {
          %mul3A_180 = arith.constant 16 : i32
          %mul3A_181 = arith.muli %while3A_178, %mul3A_180 : i32
          %get3A = arith.index_cast %mul3A_181 : i32 to index
          %get3A_182 = tpu.vector_load %arg5[%get3A] {strides = array<i32>} : memref<32784xf32, #tpu.memory_space<vmem>>, vector<16xf32>,
          %ge3A_183 = arith.cmpf oge, %get3A_182, %bitcast3A_157 : vector<16xf32>
          %jit3A_184 = arith.constant 1 : i32
          %jit3A_185 = arith.constant 0 : i32
          %broadcast_in_dim3A_186 = vector.broadcast %jit3A_184 : i32 to vector<16xi32>
          %broadcast_in_dim3A_187 = vector.broadcast %jit3A_185 : i32 to vector<16xi32>
          %select_n3A_188 = arith.select %ge3A_183, %broadcast_in_dim3A_186, %broadcast_in_dim3A_187 : vector<16xi1>, vector<16xi32>
          %add3A_189 = arith.addi %while3A_179, %select_n3A_188 : vector<16xi32>
          scf.yield %add3A_189 : vector<16xi32>
        }
        %while3A_169 = arith.constant 1 : i32
        %while3A_170 = scf.for %while3A_178 = %while3A_166 to %while3A_162 step %while3A_169 iter_args(%while3A_179 = %while3A_168) -> (vector<16xi32>)  : i32 {
          %mul3A_180 = arith.constant 16 : i32
          %mul3A_181 = arith.muli %while3A_178, %mul3A_180 : i32
          %get3A = arith.index_cast %mul3A_181 : i32 to index
          %get3A_182 = tpu.vector_load %arg5[%get3A] {strides = array<i32>} : memref<32784xf32, #tpu.memory_space<vmem>>, vector<16xf32>,
          %ge3A_183 = arith.cmpf oge, %get3A_182, %bitcast3A_157 : vector<16xf32>
          %jit3A_184 = arith.constant 1 : i32
          %jit3A_185 = arith.constant 0 : i32
          %broadcast_in_dim3A_186 = vector.broadcast %jit3A_184 : i32 to vector<16xi32>
          %broadcast_in_dim3A_187 = vector.broadcast %jit3A_185 : i32 to vector<16xi32>
          %select_n3A_188 = arith.select %ge3A_183, %broadcast_in_dim3A_186, %broadcast_in_dim3A_187 : vector<16xi1>, vector<16xi32>
          %add3A_189 = arith.addi %while3A_179, %select_n3A_188 : vector<16xi32>
          scf.yield %add3A_189 : vector<16xi32>
        }
        %reduce_sum3A_171 = arith.constant true
        %reduce_sum3A_172 = vector.broadcast %reduce_sum3A_171 : i1 to vector<16xi1>
        %reduce_sum3A_173 = tpu.scan <sum>, %while3A_170 masked %reduce_sum3A_172 : vector<16xi32>, vector<16xi1> -> vector<16xi32>
        %reduce_sum3A_174 = vector.extract %reduce_sum3A_173[15] : i32 from vector<16xi32>
        %ge3A_175 = arith.constant 512 : i32
        %ge3A_176 = arith.cmpi sge, %reduce_sum3A_174, %ge3A_175 : i32
        %select_n3A_177 = arith.select %ge3A_176, %or3A, %scan3A_145 : i32
        scf.yield %select_n3A_177 : i32
      }
      %scan3A_121 = arith.constant 31 : i32
      %broadcast_in_dim3A_122 = vector.broadcast %scan3A_120 : i32 to vector<16xi32>
      %shift_right_arithmetic3A_123 = arith.constant 31 : i32
      %shift_right_arithmetic3A_124 = vector.broadcast %shift_right_arithmetic3A_123 : i32 to vector<16xi32>
      %shift_right_arithmetic3A_125 = arith.shrsi %broadcast_in_dim3A_122, %shift_right_arithmetic3A_124 : vector<16xi32>
      %and3A_126 = arith.constant 2147483647 : i32
      %and3A_127 = vector.broadcast %and3A_126 : i32 to vector<16xi32>
      %and3A_128 = arith.andi %shift_right_arithmetic3A_125, %and3A_127 : vector<16xi32>
      %xor3A_129 = arith.xori %broadcast_in_dim3A_122, %and3A_128 : vector<16xi32>
      %bitcast3A_130 = vector.bitcast %xor3A_129 : vector<16xi32> to vector<16xf32>
      %swap3A = arith.constant 0 : index
      %swap3A_131 = tpu.vector_load %arg7[%swap3A] {strides = array<i32>} : memref<16xf32, #tpu.memory_space<vmem>>, vector<16xf32>,
      tpu.vector_store %arg7[%swap3A], %bitcast3A_130 {strides = array<i32>} : memref<16xf32, #tpu.memory_space<vmem>>, vector<16xf32>,
      %dma_start3A_132 = arith.constant 0 : i32
      %dma_start3A_133 = tpu.memref_slice %arg3[%add3A_12, %dma_start3A_132] : memref<64x16xf32, #tpu.memory_space<hbm>> -> memref<1x16xf32, #tpu.memory_space<hbm>>
      %dma_start3A_134 = tpu.memref_squeeze %dma_start3A_133 : memref<1x16xf32, #tpu.memory_space<hbm>> -> memref<16xf32, #tpu.memory_space<hbm>>
      %dma_start3A_135 = arith.constant 0 : i32
      %dma_start3A_136 = tpu.memref_slice %arg3[%add3A_12, %dma_start3A_135] : memref<64x16xf32, #tpu.memory_space<hbm>> -> memref<1x16xf32, #tpu.memory_space<hbm>>
      %dma_start3A_137 = tpu.memref_squeeze %dma_start3A_136 : memref<1x16xf32, #tpu.memory_space<hbm>> -> memref<16xf32, #tpu.memory_space<hbm>>
      tpu.enqueue_dma source(%arg7 : memref<16xf32, #tpu.memory_space<vmem>>) target(%dma_start3A_137 : memref<16xf32, #tpu.memory_space<hbm>>) target_semaphore(%arg8 : memref<!tpu.dma_semaphore, #tpu.memory_space<semaphore_mem>>)
      %dma_wait3A_138 = arith.constant 0 : i32
      %dma_wait3A_139 = tpu.memref_slice %arg3[%add3A_12, %dma_wait3A_138] : memref<64x16xf32, #tpu.memory_space<hbm>> -> memref<1x16xf32, #tpu.memory_space<hbm>>
      %dma_wait3A_140 = tpu.memref_squeeze %dma_wait3A_139 : memref<1x16xf32, #tpu.memory_space<hbm>> -> memref<16xf32, #tpu.memory_space<hbm>>
      %dma_wait3A_141 = arith.constant 0 : i32
      %dma_wait3A_142 = tpu.memref_slice %arg3[%add3A_12, %dma_wait3A_141] : memref<64x16xf32, #tpu.memory_space<hbm>> -> memref<1x16xf32, #tpu.memory_space<hbm>>
      %dma_wait3A_143 = tpu.memref_squeeze %dma_wait3A_142 : memref<1x16xf32, #tpu.memory_space<hbm>> -> memref<16xf32, #tpu.memory_space<hbm>>
      tpu.wait_dma2 semaphore(%arg8 : memref<!tpu.dma_semaphore, #tpu.memory_space<semaphore_mem>>) src(%arg7 : memref<16xf32, #tpu.memory_space<vmem>>) dst(%dma_wait3A_143 : memref<16xf32, #tpu.memory_space<hbm>>)
    }
    %scan3A_4 = arith.constant 2 : i32
    return
  }
}

module attributes {stable_mosaic.version = 14 : i64} {
  func.func @_boost_kernel(%arg0: memref<64x32768xf32, #tpu.memory_space<vmem>>, %arg1: memref<1x32768xf32, #tpu.memory_space<vmem>>, %arg2: memref<64x32768xf32, #tpu.memory_space<vmem>>) attributes {dimension_semantics = [], scalar_prefetch = 0 : i64, scratch_operands = 0 : i64, tpu.core_type = #tpu.core_type<tc>} {
    %get3A = arith.constant 0 : index
    %get3A_0 = arith.constant 0 : index
    %get3A_1 = vector.load %arg1[%get3A, %get3A_0] : memref<1x32768xf32, #tpu.memory_space<vmem>>, vector<1x32768xf32>
    %sub3A = arith.constant 1.562500e-02 : f32
    %sub3A_2 = vector.broadcast %sub3A : f32 to vector<1x32768xf32>
    %sub3A_3 = arith.subf %sub3A_2, %get3A_1 : vector<1x32768xf32>
    %mul3A = arith.constant 1.000000e+00 : f32
    %mul3A_4 = vector.broadcast %mul3A : f32 to vector<1x32768xf32>
    %mul3A_5 = arith.mulf %mul3A_4, %sub3A_3 : vector<1x32768xf32>
    %exp3A = math.exp %mul3A_5 : vector<1x32768xf32>
    %get3A_6 = arith.constant 0 : index
    %get3A_7 = arith.constant 0 : index
    %get3A_8 = vector.load %arg0[%get3A_6, %get3A_7] : memref<64x32768xf32, #tpu.memory_space<vmem>>, vector<64x32768xf32>
    %mul3A_9 = vector.broadcast %exp3A : vector<1x32768xf32> to vector<64x32768xf32>
    %mul3A_10 = arith.mulf %get3A_8, %mul3A_9 : vector<64x32768xf32>
    %swap3A = arith.constant 0 : index
    %swap3A_11 = arith.constant 0 : index
    %swap3A_12 = vector.load %arg2[%swap3A, %swap3A_11] : memref<64x32768xf32, #tpu.memory_space<vmem>>, vector<64x32768xf32>
    tpu.vector_store %arg2[%swap3A, %swap3A_11], %mul3A_10 {strides = array<i32>} : memref<64x32768xf32, #tpu.memory_space<vmem>>, vector<64x32768xf32>,
    return
  }
}

module attributes {stable_mosaic.version = 14 : i64} {
  func.func @_mask_kernel(%arg0: memref<64x32768xf32, #tpu.memory_space<vmem>>, %arg1: memref<1x32768xf32, #tpu.memory_space<vmem>>, %arg2: memref<64x1xf32, #tpu.memory_space<vmem>>, %arg3: memref<64x32768xf32, #tpu.memory_space<vmem>>) attributes {dimension_semantics = [], scalar_prefetch = 0 : i64, scratch_operands = 0 : i64, tpu.core_type = #tpu.core_type<tc>} {
    %get3A = arith.constant 0 : index
    %get3A_0 = arith.constant 0 : index
    %get3A_1 = vector.load %arg1[%get3A, %get3A_0] : memref<1x32768xf32, #tpu.memory_space<vmem>>, vector<1x32768xf32>
    %sub3A = arith.constant 1.562500e-02 : f32
    %sub3A_2 = vector.broadcast %sub3A : f32 to vector<1x32768xf32>
    %sub3A_3 = arith.subf %sub3A_2, %get3A_1 : vector<1x32768xf32>
    %mul3A = arith.constant 1.000000e+00 : f32
    %mul3A_4 = vector.broadcast %mul3A : f32 to vector<1x32768xf32>
    %mul3A_5 = arith.mulf %mul3A_4, %sub3A_3 : vector<1x32768xf32>
    %exp3A = math.exp %mul3A_5 : vector<1x32768xf32>
    %get3A_6 = arith.constant 0 : index
    %get3A_7 = arith.constant 0 : index
    %get3A_8 = vector.load %arg0[%get3A_6, %get3A_7] : memref<64x32768xf32, #tpu.memory_space<vmem>>, vector<64x32768xf32>
    %mul3A_9 = vector.broadcast %exp3A : vector<1x32768xf32> to vector<64x32768xf32>
    %mul3A_10 = arith.mulf %get3A_8, %mul3A_9 : vector<64x32768xf32>
    %get3A_11 = arith.constant 0 : index
    %get3A_12 = arith.constant 0 : index
    %get3A_13 = vector.load %arg2[%get3A_11, %get3A_12] : memref<64x1xf32, #tpu.memory_space<vmem>>, vector<64x1xf32>
    %ge3A = vector.broadcast %get3A_13 : vector<64x1xf32> to vector<64x32768xf32>
    %ge3A_14 = arith.cmpf oge, %mul3A_10, %ge3A : vector<64x32768xf32>
    %get3A_15 = arith.constant 0 : index
    %get3A_16 = arith.constant 0 : index
    %get3A_17 = vector.load %arg0[%get3A_15, %get3A_16] : memref<64x32768xf32, #tpu.memory_space<vmem>>, vector<64x32768xf32>
    %jit3A = arith.constant 0.000000e+00 : f32
    %broadcast_in_dim3A = vector.broadcast %jit3A : f32 to vector<64x32768xf32>
    %select_n3A = arith.select %ge3A_14, %get3A_17, %broadcast_in_dim3A : vector<64x32768xi1>, vector<64x32768xf32>
    %swap3A = arith.constant 0 : index
    %swap3A_18 = arith.constant 0 : index
    %swap3A_19 = vector.load %arg3[%swap3A, %swap3A_18] : memref<64x32768xf32, #tpu.memory_space<vmem>>, vector<64x32768xf32>
    tpu.vector_store %arg3[%swap3A, %swap3A_18], %select_n3A {strides = array<i32>} : memref<64x32768xf32, #tpu.memory_space<vmem>>, vector<64x32768xf32>,
    return
  }
}

</mosaic_0001>

<sc_bundles>
// kernel: kernel.5.cloned.1.call-start
scs
__scs_entry_jumppad:
0x0: {  	(pc) =	sbr.rel $0x88, $3  }
0x1: {  	(tag) =	ssettag $0x0;
	lr =	simm.s32 $0x1  }
0x2: {  	[smem:$0x3F9F] =	sst lr;
	_ =	strace $0xD0000000  }
0x3: {  	_ = 	snop  }
0x4: {  	_ = 	snop  }
0x5: {  	_ = 	snop  }
0x6: {  	_ = 	snop  }
0x7: {  	_ = 	snop  }
__scs_overlays_trampoline_lowered:
0x8: {  	[smem:$0x3FAE] =	sst s0  }
0x9: {  	[smem:$0x3FAF] =	sst s1  }
0xa: {  	[smem:$0x3FB0] =	sst s2  }
0xb: {  	[smem:$0x3FB1] =	sst s3  }
0xc: {  	[smem:$0x3FB2] =	sst s4  }
0xd: {  	[smem:$0x3FB3] =	sst s5  }
0xe: {  	[smem:$0x3FB4] =	sst s6  }
0xf: {  	[smem:$0x3FB5] =	sst s7  }
0x10: {  	[smem:$0x3FB6] =	sst s8  }
0x11: {  	[smem:$0x3FB7] =	sst s9;
	s0 =	simm.s32 @!p0 $0x0  }
0x12: {  	s1 =	sld [smem:$0x3F9D];
	s0 =	simm.s32 @p0 $0x1  }
0x13: {  	[smem:$0x3FB8] =	sst s0;
	s0 =	simm.s32 @!p1 $0x0  }
0x14: {  	s2 =	sld [smem:$0x3F9C];
	s0 =	simm.s32 @p1 $0x1  }
0x15: {  	[smem:$0x3FB9] =	sst s0;
	s0 =	simm.s32 @!p2 $0x0  }
0x16: {  	s3 =	sld [smem:$0x3FDB];
	s0 =	simm.s32 @p2 $0x1  }
0x17: {  	s4 =	simm.s32 $0x1BF5;
	[smem:$0x3FBB] =	sst s0  }
0x18: {  	s0 =	sld [smem:$0x3F9E];
	_ =	swait.ge [sflag:s4], $0x0  }
0x19: {  	s7 =	sld [smem:$0x3F9F]  }
0x1a: {  	s8 =	sadd.s32 $0xFFFFE003, lr  }
0x1b: {  	s9 =	sadd.s32 $0xFFFFFEF7, lr;
	s5 =	simm.s32 $0xFFFFFFFF;
	p2 =	slt.u32 s8, $0xFFFFF086  }
0x1c: {  	p1 =	slt.u32 s9, $0xF7A;
	s5 =	simm.s32 @!p2 $0x0  }
0x1d: {  	s5 =	simm.s32 @p1 $0x1;
	p0 =	seq.s32 s7, s2  }
0x1e: {  	s7 =	smul.u32 @!p0 $0xF7A, s2;
	p2 =	seq.s32 @!p0 s5, $0x0  }
0x1f: {  	s9 =	smul.u32 $0xF7A, s1;
	s8 =	simm.s32 @!p0 $0x1BF5;
	p2 =	por !p2, p0  }
0x20: {  	[sflag:s8] =	ssyncset.s32 @!p0 $0xFFFFF086;
	s6 =	sadd.s32 @!p0 s3, s7;
	s7 =	simm.s32 @!p0 $0x108  }
0x21: {  	s3 =	sadd.s32 s3, s9;
	s6 =	sadd.s32 @!p0 $0x88, s6;
	s7 =	simm.s32 @p2 $0x1082  }
0x22: {  	[simem:s7], [sflag:s8] =	dma.local @!p0 [hbm:s6], $0xF7A  }
0x23: {  	s9 =	sor.u32 $0xD0000000, s2;
	s6 =	simm.s32 $0x108;
	_ =	swait.ge @!p0 [sflag:s8], $0x0  }
0x24: {  	s3 =	sadd.s32 $0x88, s3;
	s6 =	simm.s32 @!p1 $0x1082;
	[sflag:s4] =	ssyncset.s32 $0xFFFFF086  }
0x25: {  	[simem:s6], [sflag:s4] =	dma.local [hbm:s3], $0xF7A  }
0x26: {  	[smem:$0x3F9F] =	sst s1;
	(tag) =	ssettag s2;
	_ =	strace s9  }
0x27: {  	s1 =	sld [smem:$0x3FAF]  }
0x28: {  	s2 =	sld [smem:$0x3FB0]  }
0x29: {  	s4 =	sld [smem:$0x3FB2]  }
0x2a: {  	p0 =	seq.s32 s5, $0x0;
	s5 =	sld [smem:$0x3FB3]  }
0x2b: {  	s6 =	sld [smem:$0x3FB4]  }
0x2c: {  	s7 =	sld [smem:$0x3FB5]  }
0x2d: {  	s3 =	simm.s32 $0x108;
	s8 =	sld [smem:$0x3FB6]  }
0x2e: {  	s3 =	simm.s32 @!p0 $0x1082;
	s9 =	sld [smem:$0x3FB7]  }
0x2f: {  	lr =	sadd.s32 s0, s3;
	s0 =	sld [smem:$0x3FAE]  }
0x30: {  	s3 =	sld [smem:$0x3FB1]  }
0x31: {  	[smem:$0x3FBA] =	sst s10  }
0x32: {  	s10 =	sld [smem:$0x3FB8];
	_ =	sdelay $0x3  }
0x33: {  	p0 =	seq.s32 s10, $0x1;
	s10 =	sld [smem:$0x3FBA];
	_ =	sdelay $0x3  }
0x34: {  	[smem:$0x3FBA] =	sst s10  }
0x35: {  	s10 =	sld [smem:$0x3FB9];
	_ =	sdelay $0x3  }
0x36: {  	p1 =	seq.s32 s10, $0x1;
	s10 =	sld [smem:$0x3FBA];
	_ =	sdelay $0x3  }
0x37: {  	[smem:$0x3FBA] =	sst s10  }
0x38: {  	s10 =	sld [smem:$0x3FBB]  }
0x39: {  	_ = 	snop;
	(pc) =	sbr.ind lr, $3  }
0x3a: {  	_ = 	snop  }
0x3b: {  	_ = 	snop  }
0x3c: {  	p2 =	seq.s32 s10, $0x1;
	s10 =	sld [smem:$0x3FBA]  }
0x3d: {  	_ =	shalt  }
0x3e: {  	_ =	shalt  }
0x3f: {  	_ =	shalt  }
0x40: {  	_ =	shalt  }
0x41: {  	_ =	shalt  }
0x42: {  	_ =	shalt  }
0x43: {  	_ =	shalt  }
0x44: {  	_ =	shalt  }
0x45: {  	_ =	shalt  }
0x46: {  	_ =	shalt  }
0x47: {  	_ =	shalt  }
0x48: {  	_ =	shalt  }
0x49: {  	_ =	shalt  }
0x4a: {  	_ =	shalt  }
0x4b: {  	_ =	shalt  }
0x4c: {  	_ =	shalt  }
0x4d: {  	_ =	shalt  }
0x4e: {  	_ =	shalt  }
0x4f: {  	_ =	shalt  }
0x50: {  	_ =	shalt  }
0x51: {  	_ =	shalt  }
0x52: {  	_ =	shalt  }
0x53: {  	_ =	shalt  }
0x54: {  	_ =	shalt  }
0x55: {  	_ =	shalt  }
0x56: {  	_ =	shalt  }
0x57: {  	_ =	shalt  }
0x58: {  	_ =	shalt  }
0x59: {  	_ =	shalt  }
0x5a: {  	_ =	shalt  }
0x5b: {  	_ =	shalt  }
0x5c: {  	_ =	shalt  }
0x5d: {  	_ =	shalt  }
0x5e: {  	_ =	shalt  }
0x5f: {  	_ =	shalt  }
0x60: {  	_ =	shalt  }
0x61: {  	_ =	shalt  }
0x62: {  	_ =	shalt  }
0x63: {  	_ =	shalt  }
0x64: {  	_ =	shalt  }
0x65: {  	_ =	shalt  }
0x66: {  	_ =	shalt  }
0x67: {  	_ =	shalt  }
0x68: {  	_ =	shalt  }
0x69: {  	_ =	shalt  }
0x6a: {  	_ =	shalt  }
0x6b: {  	_ =	shalt  }
0x6c: {  	_ =	shalt  }
0x6d: {  	_ =	shalt  }
0x6e: {  	_ =	shalt  }
0x6f: {  	_ =	shalt  }
0x70: {  	_ =	shalt  }
0x71: {  	_ =	shalt  }
0x72: {  	_ =	shalt  }
0x73: {  	_ =	shalt  }
0x74: {  	_ =	shalt  }
0x75: {  	_ =	shalt  }
0x76: {  	_ =	shalt  }
0x77: {  	_ =	shalt  }
0x78: {  	_ =	shalt  }
0x79: {  	_ =	shalt  }
0x7a: {  	_ =	shalt  }
0x7b: {  	_ =	shalt  }
0x7c: {  	_ =	shalt  }
0x7d: {  	_ =	shalt  }
0x7e: {  	_ =	shalt  }
0x7f: {  	_ =	shalt  }
0x80: {  	_ =	shalt  }
0x81: {  	_ =	shalt  }
0x82: {  	_ =	shalt  }
0x83: {  	_ =	shalt  }
0x84: {  	_ =	shalt  }
0x85: {  	_ =	shalt  }
0x86: {  	_ =	shalt  }
0x87: {  	_ =	shalt  }
.Lfunc_end0:
.L_simem_size_0:
called_computation_lowered:
.L_overlay_start_0:
0x88: {  	s2 =	sld [smem:$0x3FD9]  }
0x89: {  	s3 =	sld [smem:$0x3FFE];
	_ =	sdelay $0x1  }
0x8a: {  	s1 =	srdreg.scid  }
0x8b: {  	s0 =	sand.u32 $0x1, s1  }
0x8c: {  	s17 =	sshll.u32 s0, $0xA;
	s2 =	sadd.s32 s3, s2  }
0x8d: {  	s2 =	sadd.s32 s2, s17  }
0x8e: {  	[smem:$0x3FC6] =	sst s2  }
0x8f: {  	_ = 	snop  }
0x90: {  	s2 =	sld [smem:$0x3FD0];
	(tm) =	ssettm $0x1  }
0x91: {  	s18 =	sld [smem:$0x3FFB];
	_ =	sdelay $0x3  }
0x92: {  	_ =	strace s18  }
0x93: {  	s3 =	sld [smem:$0x3FFC];
	_ =	sdelay $0x3  }
0x94: {  	_ =	strace s3  }
0x95: {  	s3 =	sld [smem:$0x3FFD];
	_ =	sdelay $0x3  }
0x96: {  	_ =	strace s3  }
0x97: {  	_ =	strace $0x8FFFFFFF  }
0x98: {  	s19 =	sld [smem:$0x3FDB];
	_ =	sdelay $0x1  }
0x99: {  	s4 =	simm.s32 $_scs_section_size  }
0x9a: {  	s5 =	simm.s32 $_size__tile_overlayer_lowered;
	s6 =	simm.s32 $_tile_overlayer_lowered  }
0x9b: {  	s22 =	simm.s32 $0x1BFF;
	s21 =	sshll.u32 s6, $0x1;
	s3 =	sadd.s32 s4, s19  }
0x9c: {  	s7 =	simm.s32 $0x0;
	s20 =	sshll.u32 s5, $0x1;
	s5 =	sadd.s32 s21, s3  }
0x9d: {  	[timem:s7], [sflag:s22] =	dma.local [hbm:s5], s20  }
0x9e: {  	_ =	swait.ge [sflag:s22], s20  }
0x9f: {  	s4 =	ssub.s32 $0x0, s20;
	[sflag:s22] =	ssyncset.done $0x0  }
0xa0: {  	[sflag:s22] =	ssyncadd.s32 s4;
	_ =	sdelay $0x1  }
0xa1: {  	s23 =	simm.s32 $0x1B8B  }
0xa2: {  	_ =	swait.ge [sflag:s23], $0x1  }
0xa3: {  	[sflag:s23] =	ssyncset.done $0x0  }
0xa4: {  	s25 =	simm.s32 $0x1B8E;
	s24 =	sld [smem:$0x3FFE];
	[sflag:s23] =	ssyncadd.s32 $0xFFFFFFFF  }
0xa5: {  	s26 =	simm.s32 $execute0_lowered;
	[smem:$0x3FD2] =	sst s25  }
0xa6: {  	s5 =	sshll.u32 s26, $0x1;
	_ =	strace $0x80000046;
	[dreg:$0x1] =	wrdreg $0xFFFFFFFF  }
0xa7: {  	s28 =	simm.s32 $_size_execute0_lowered;
	s3 =	sadd.s32 s3, s5;
	[dreg:$0x0] =	wrdreg $0x0  }
0xa8: {  	s5 =	sshll.u32 s28, $0x1;
	[dreg:$0x2] =	wrdreg s3  }
0xa9: {  	[dreg:$0x3] =	wrdreg s5  }
0xaa: {  	[dreg:$0x4] =	wrdreg $0xC0  }
0xab: {  	_ =	task [dreg:s7], $0x5FFFF  }
0xac: {  	[dreg:$0x1] =	wrdreg $0xFFFFFFFF  }
0xad: {  	[dreg:$0x0] =	wrdreg $0x60  }
0xae: {  	[dreg:$0x2] =	wrdreg s2  }
0xaf: {  	[dreg:$0x3] =	wrdreg s24  }
0xb0: {  	[dreg:$0x4] =	wrdreg $0x9  }
0xb1: {  	_ =	task.clear_ibuf [dreg:s7], $0x5FFFF;
	_ =	strace $0x90000046  }
0xb2: {  	s29 =	simm.s32 $0x9;
	_ =	strace $0x80000048  }
0xb3: {  	_ =	swait.ge [sflag:s29], $0x1  }
0xb4: {  	[sflag:s29] =	ssyncadd.s32 $0xFFFFFFFF  }
0xb5: {  	_ =	strace $0x90000048  }
0xb6: {  	_ =	sfence  }
0xb7: {  	s30 =	sld [smem:$0x0];
	_ =	sdelay $0x2  }
0xb8: {  	s31 =	sshll.u32 s1, $0xD;
	s1 =	sshrl.u32 s1, $0x2  }
0xb9: {  	s3 =	sand.u32 $0x4000, s31;
	s1 =	sadd.s32 s1, s30  }
0xba: {  	s0 =	sor.u32 s3, s0;
	s1 =	sshll.u32 s1, $0x11  }
0xbb: {  	s0 =	sor.u32 s1, s0  }
0xbc: {  	s0 =	sadd.s32 $0x8F2B, s0  }
0xbd: {  	[sflag:s0] =	ssyncadd.remote.s32 $0x1  }
0xbe: {  	_ =	sfence.sel $0xFFFF  }
0xbf: {  	[dreg:$0x0] =	wrdreg $0xFFFFFFFF;
	(pc) =	sbr.abs _section_cstart, $3  }
0xc0: {  	[dreg:$0x1] =	wrdreg $0xFFFFFFFF  }
0xc1: {  	_ =	task.clear_ibuf [dreg:s7], $0x2FFFF;
	_ =	strace $0x9FFFFFFF  }
0xc2: {  	(tm) =	ssettm $0x7FFFFFFF  }
0xc3: {  	_ =	shalt  }
tec
execute0_lowered:
.L_overlay_start_1:
0x0: {  	(tag) =	ssettag $0x1  }
0x1: {  	s1 =	rddreg [dreg:$0x0]  }
0x2: {  	s5 =	rddreg [dreg:$0x1]  }
0x3: {  	s0 =	rddreg [dreg:$0x2]  }
0x4: {  	s3 =	simm.s32 $0x0;
	s4 =	srdreg.scid;
	s2 =	stileid.u32  }
0x5: {  	s9 =	simm.s32 $0x400;
	s10 =	simm.s32 $0x1;
	s11 =	simm.s32 $0x40000000  }
0x6: {  	s12 =	simm.s32 $0x8000;
	s13 =	simm.s32 $0x10880;
	s14 =	simm.s32 $0x0  }
.Ltmp0:
0x7: {  	[smem:$0x7FF] =	sst s3;
	s4 =	sand.u32 $0x1, s4;
	(pc) =	sbr.rel .LBB2_1-.Ltmp0, $4  }
0x8: {  	s6 =	ssub.s32 $0x2, s4;
	s7 =	sshll.u32 s4, $0x5;
	s4 =	sshll.u32 s2, $0x1  }
0x9: {  	s5 =	sadd.s32 $0x1600, s5;
	s8 =	sshrl.u32 s6, $0x1;
	s7 =	sor.u32 s4, s7  }
0xa: {  	_ =	strace $0x80000047;
	s8 =	ssub.s32 s6, s8;
	s7 =	sshrl.u32 s7, $0x3  }
0xb: {  	v0 =	vimm.s32 $0x0;
	v1 =	vlaneseq.u32;
	v2 =	vimm.f32 $-Inf;
	s6 =	sshll.u32 s7, $0x12;
	s7 =	sshll.u32 s7, $0xA;
	s8 =	smax.u32 s8, $0x1  }
.LBB2_23:
0xc: {  	s14 =	sadd.s32 $0x1, s14  }
0xd: {  	p0 =	sne.s32 s14, s8  }
.Ltmp1:
0xe: {  	_ = 	snop;
	(pc) =	sbr.rel @!p0 .LBB2_24-.Ltmp1, $1  }
0xf: {  	_ =	sdelay $0x3  }
.LBB2_1:
.Ltmp2:
0x10: {  	(pc) =	sbr.rel .LBB2_2-.Ltmp2, $2  }
0x11: {  	_ =	sdelay $0x2  }
0x12: {  	p1 =	por $0x1, $0x1;
	s15 =	simm.s32 $0x0  }
.LBB2_22:
0x13: {  	v3 =	vmov s17  }
0x14: {  	v3 =	vshra.s32 v3, $0x1F  }
0x15: {  	s15 =	sor.u32 s7, s15;
	v3 =	vand.u32 $0x7FFFFFFF, v3  }
0x16: {  	s15 =	sshrl.u32 s15, $0x3;
	v3 =	vxor.u32 s17, v3  }
0x17: {  	s15 =	sadd.s32 s5, s15;
	[tilespmem:$0x10880] =	vst v3  }
0x18: {  	[hbm4b:s15+s3] =	stream.linear.scatter [tilespmem:s13], [sflag:$0x1], $0x80, $0x38;
	[tilespmem:$0x10900] =	vst v63  }
.Ltmp3:
0x19: {  	_ = 	snop;
	(pc) =	sbr.rel @!p0 .LBB2_23-.Ltmp3, $4  }
0x1a: {  	s15 =	simm.s32 $0x1  }
0x1b: {  	_ =	swait.ge [sflag:s15], $0x80  }
0x1c: {  	[sflag:s15] =	ssyncset.done $0x0  }
0x1d: {  	p1 =	por $0x0, $0x0;
	[sflag:s15] =	ssyncadd.s32 $0xFFFFFF80  }
.LBB2_2:
0x1e: {  	s15 =	sor.u32 s4, s15  }
0x1f: {  	s15 =	sshll.u32 s15, $0x7  }
0x20: {  	s15 =	sand.u32 $0x380, s15  }
0x21: {  	s16 =	sor.u32 s6, s15  }
0x22: {  	s16 =	sshrl.u32 s16, $0x3  }
0x23: {  	s17 =	simm.s32 $0x80;
	s18 =	sadd.s32 s1, s16;
	s16 =	simm.s32 $0x0  }
0x24: {  	[tilespmem:s16], [sflag:$0x1] =	stream.strided.gather [hbm4b:s18+s17], $0x8000, s9, s17, $0x38;
	[tilespmem:$0x10900] =	vst v63  }
0x25: {  	_ =	swait.ge [sflag:s10], $0x8000  }
0x26: {  	[sflag:s10] =	ssyncset.done $0x0  }
0x27: {  	[sflag:s10] =	ssyncadd.s32 $0xFFFF8000  }
0x28: {  	v3 =	vld [tilespmem:s17+$0xFFFFFF90]  }
0x29: {  	p0 =	por p1, p1;
	s18 =	simm.s32 $0x40;
	v4 =	vld [tilespmem:s17+$0xFFFFFF80]  }
.LBB2_3:
0x2a: {  	p1 =	sne.s32 s18, $0x1FC0;
	v5 =	vld [tilespmem:s17+$0xFFFFFFA0]  }
0x2b: {  	v6 =	vld [tilespmem:s17+$0xFFFFFFB0]  }
0x2c: {  	v7 =	vld [tilespmem:s17+$0xFFFFFFC0]  }
0x2d: {  	v8 =	vld [tilespmem:s17+$0xFFFFFFD0]  }
0x2e: {  	v3 =	vmax.f32 v4, v3;
	v4 =	vld [tilespmem:s17+$0xFFFFFFE0]  }
0x2f: {  	v3 =	vmax.f32 v3, v5;
	v5 =	vld [tilespmem:s17+$0xFFFFFFF0]  }
0x30: {  	v3 =	vmax.f32 v3, v6;
	v6 =	vld [tilespmem:s17+$0x0]  }
0x31: {  	v3 =	vmax.f32 v3, v7;
	v7 =	vld [tilespmem:s17+$0x10]  }
0x32: {  	v3 =	vmax.f32 v3, v8;
	v8 =	vld [tilespmem:s17+$0x20]  }
0x33: {  	v3 =	vmax.f32 v3, v4;
	v4 =	vld [tilespmem:s17+$0x30]  }
0x34: {  	v3 =	vmax.f32 v3, v5;
	v5 =	vld [tilespmem:s17+$0x40]  }
0x35: {  	v3 =	vmax.f32 v3, v6;
	v6 =	vld [tilespmem:s17+$0x50]  }
0x36: {  	v3 =	vmax.f32 v3, v7;
	v7 =	vld [tilespmem:s17+$0x60]  }
0x37: {  	v3 =	vmax.f32 v3, v8;
	v8 =	vld [tilespmem:s17+$0x70]  }
0x38: {  	v3 =	vmax.f32 v3, v4  }
0x39: {  	v3 =	vmax.f32 v3, v5  }
0x3a: {  	v3 =	vmax.f32 v3, v6  }
.Ltmp4:
0x3b: {  	v3 =	vmax.f32 v3, v7;
	(pc) =	sbr.rel @p1 .LBB2_3-.Ltmp4, $4  }
0x3c: {  	s19 =	sshra.s32 s16, $0x2;
	s16 =	smov.u32 s18;
	v3 =	vmax.f32 v3, v8  }
0x3d: {  	s17 =	sadd.s32 $0x100, s17;
	[tilespmem:s19+$0x10080] =	vst v3  }
0x3e: {  	v3 =	vld [tilespmem:s17+$0xFFFFFF90]  }
0x3f: {  	s18 =	sadd.s32 $0x40, s18;
	v4 =	vld [tilespmem:s17+$0xFFFFFF80]  }
0x40: {  	v5 =	vld [tilespmem:s17+$0xFFFFFFA0]  }
0x41: {  	v6 =	vld [tilespmem:s17+$0xFFFFFFB0]  }
0x42: {  	v7 =	vld [tilespmem:s17+$0xFFFFFFC0]  }
0x43: {  	v8 =	vld [tilespmem:s17+$0xFFFFFFD0]  }
0x44: {  	v3 =	vmax.f32 v4, v3;
	v4 =	vld [tilespmem:s17+$0xFFFFFFE0]  }
0x45: {  	v3 =	vmax.f32 v3, v5;
	v5 =	vld [tilespmem:s17+$0xFFFFFFF0]  }
0x46: {  	v3 =	vmax.f32 v3, v6;
	v6 =	vld [tilespmem:s17+$0x0]  }
0x47: {  	v3 =	vmax.f32 v3, v7;
	v7 =	vld [tilespmem:s17+$0x10]  }
0x48: {  	v62 =	vld [tilespmem:s17+$0x20];
	v3 =	vmax.f32 v3, v8  }
0x49: {  	v3 =	vmax.f32 v3, v4;
	v4 =	vld [tilespmem:s17+$0x30]  }
0x4a: {  	v3 =	vmax.f32 v3, v5;
	v5 =	vld [tilespmem:s17+$0x40]  }
0x4b: {  	v3 =	vmax.f32 v3, v6;
	v6 =	vld [tilespmem:s17+$0x50]  }
0x4c: {  	v3 =	vmax.f32 v3, v7;
	v7 =	vld [tilespmem:s17+$0x60]  }
0x4d: {  	v63 =	vld [tilespmem:s17+$0x70];
	v3 =	vmax.f32 v3, v62  }
0x4e: {  	v3 =	vmax.f32 v3, v4  }
0x4f: {  	v3 =	vmax.f32 v3, v5  }
0x50: {  	v3 =	vmax.f32 v3, v6  }
0x51: {  	v3 =	vmax.f32 v3, v7  }
0x52: {  	s16 =	sshra.s32 s16, $0x2;
	v3 =	vmax.f32 v3, v63  }
0x53: {  	s31 =	simm.s32 $0x0;
	[tilespmem:s16+$0x10080] =	vst v3  }
0x54: {  	v4 =	vld [tilespmem:s31+$0x10080]  }
0x55: {  	v3 =	vimm.s32 $0x0;
	s16 =	simm.s32 $0x40  }
.LBB2_5:
0x56: {  	p1 =	sne.s32 s16, $0x1FC0  }
.Ltmp5:
0x57: {  	_ = 	snop;
	(pc) =	sbr.rel @p1 .LBB2_5-.Ltmp5, $4  }
0x58: {  	_ = 	snop  }
0x59: {  	s17 =	sshra.s32 s16, $0x2;
	s16 =	sadd.s32 $0x40, s16;
	vm0 =	vge.f32 v4, $0.0e+00  }
0x5a: {  	v4 =	vld [tilespmem:s17+$0x10080];
	v5 =	vsel vm0, $0x1, v0  }
0x5b: {  	v3 =	vadd.s32 v5, v3  }
0x5c: {  	_ =	sdelay $0x2  }
0x5d: {  	vm0 =	vge.f32 v4, $0.0e+00  }
0x5e: {  	v4 =	vsel vm0, $0x1, v0  }
0x5f: {  	v3 =	vadd.s32 v4, v3  }
0x60: {  	(xrf0) =	vadd.scan.msk.s32 $0xffff, v3;
	_ =	sdelay $0x5  }
0x61: {  	v3, _, _ =	vpop (xrf0)  }
0x62: {  	(v2sf) =	vpush v3, $0xF;
	_ =	sdelay $0xe  }
0x63: {  	s16 =	spop (v2sf)  }
0x64: {  	p1 =	sgt.s32 s16, $0x1FF;
	s16 =	simm.s32 $0x0  }
0x65: {  	s17 =	simm.s32 $0x0;
	s16 =	simm.s32 @!p1 $0x80000000  }
.LBB2_7:
0x66: {  	s18 =	sshrl.u32 s11, s17  }
0x67: {  	s18 =	sor.u32 s18, s16  }
0x68: {  	v3 =	vmov s18  }
0x69: {  	s20 =	simm.s32 $0x0;
	v3 =	vshra.s32 v3, $0x1F  }
0x6a: {  	v5 =	vld [tilespmem:s20+$0x10080];
	v4 =	vand.u32 $0x7FFFFFFF, v3  }
0x6b: {  	s19 =	simm.s32 $0x40;
	v3 =	vimm.s32 $0x0;
	v4 =	vxor.u32 s18, v4  }
.LBB2_8:
0x6c: {  	p1 =	sne.s32 s19, $0x1FC0  }
.Ltmp6:
0x6d: {  	_ = 	snop;
	(pc) =	sbr.rel @p1 .LBB2_8-.Ltmp6, $4  }
0x6e: {  	_ = 	snop  }
0x6f: {  	s20 =	sshra.s32 s19, $0x2;
	s19 =	sadd.s32 $0x40, s19;
	vm0 =	vge.f32 v5, v4  }
0x70: {  	v5 =	vld [tilespmem:s20+$0x10080];
	v6 =	vsel vm0, $0x1, v0  }
0x71: {  	v3 =	vadd.s32 v6, v3  }
0x72: {  	_ =	sdelay $0x2  }
0x73: {  	vm0 =	vge.f32 v5, v4  }
0x74: {  	v4 =	vsel vm0, $0x1, v0  }
0x75: {  	v3 =	vadd.s32 v4, v3  }
0x76: {  	(xrf0) =	vadd.scan.msk.s32 $0xffff, v3;
	_ =	sdelay $0x5  }
0x77: {  	v3, _, _ =	vpop (xrf0)  }
0x78: {  	(v2sf) =	vpush v3, $0xF;
	_ =	sdelay $0xa  }
0x79: {  	s17 =	sadd.s32 $0x1, s17  }
0x7a: {  	p2 =	sne.s32 s17, $0xD  }
.Ltmp7:
0x7b: {  	_ = 	snop;
	(pc) =	sbr.rel @p2 .LBB2_7-.Ltmp7, $4  }
0x7c: {  	_ = 	snop  }
0x7d: {  	s19 =	spop (v2sf)  }
0x7e: {  	p1 =	sgt.s32 s19, $0x1FF  }
0x7f: {  	s16 =	smov.u32 @p1 s18  }
0x80: {  	v3 =	vmov s16  }
0x81: {  	v3 =	vshra.s32 v3, $0x1F  }
0x82: {  	v3 =	vand.u32 $0x7FFFFFFF, v3  }
0x83: {  	v4 =	vimm.s32 $0x0;
	s17 =	simm.s32 $0x0;
	v5 =	vxor.u32 s16, v3;
	s16 =	simm.s32 $0x40;
	v3 =	vimm.s32 $0x0  }
.LBB2_11:
0x84: {  	p1 =	sne.s32 s16, $0x1FFC0;
	v6 =	vld [tilespmem:s17+$0x0];
	_ =	sdelay $0x4  }
0x85: {  	vm0 =	vge.f32 v6, v5  }
0x86: {  	v7 =	vsel vm0, $0x1, v0;
	v8 =	vmpcnt.ones.xlane vm0  }
0x87: {  	(xrf0) =	vadd.scan.msk.s32 $0xffff, v7  }
0x88: {  	v4 =	vadd.s32 v4, v8;
	_ =	sdelay $0x4  }
0x89: {  	v7, _, _ =	vpop (xrf0)  }
0x8a: {  	v7 =	vadd.s32 v7, v3;
	v3 =	vmov v4  }
0x8b: {  	v7 =	vadd.s32 $0xFFFFFFFF, v7  }
.Ltmp8:
0x8c: {  	(pc) =	sbr.rel @p1 .LBB2_11-.Ltmp8, $2  }
0x8d: {  	_ =	sdelay $0x2  }
0x8e: {  	s17 =	sshra.s32 s16, $0x2;
	s16 =	sadd.s32 $0x40, s16;
	[tilespmem:v7+s12+$0x0] =	vst.idx.msk vm0, v6  }
0x8f: {  	v6 =	vld [tilespmem:s17+$0x0];
	_ =	sdelay $0x4  }
0x90: {  	vm0 =	vge.f32 v6, v5  }
0x91: {  	v5 =	vmpcnt.ones.xlane vm0;
	_ =	sdelay $0x1  }
0x92: {  	v7 =	vsel vm0, $0x1, v0;
	v4 =	vadd.s32 v4, v5  }
0x93: {  	(xrf0) =	vadd.scan.msk.s32 $0xffff, v7;
	v4 =	vxor.u32 $0x80000000, v4  }
0x94: {  	(xrf0) =	vmax.scan.msk.u32 $0xffff, v4;
	_ =	sdelay $0x4  }
0x95: {  	v4, _, _ =	vpop (xrf0)  }
0x96: {  	v5, _, _ =	vpop (xrf0)  }
0x97: {  	(v2sf) =	vpush v5, $0xF;
	_ =	sdelay $0xe  }
0x98: {  	s16 =	spop (v2sf)  }
0x99: {  	s29 =	sadd.s32 $0x8000000F, s16  }
0x9a: {  	s18 =	sand.u32 $0xF, s29  }
0x9b: {  	s30 =	sshra.s32 s29, $0x1F;
	p2 =	slt.s32 s29, $0x1;
	p1 =	sne.s32 s18, $0x0  }
0x9c: {  	s16 =	sxor.u32 $0x80000000, s16;
	s31 =	sshrl.u32 s30, $0x1C;
	p1 =	por !p2, !p1  }
0x9d: {  	s17 =	simm.s32 $0x1;
	v3 =	vadd.s32 v4, v3;
	v4 =	vadd.s32 s16, v1;
	s16 =	sadd.s32 s31, s29;
	p1 =	por !p1, !p1  }
0x9e: {  	s16 =	sshra.s32 s16, $0x4;
	s17 =	simm.s32 @!p1 $0x0  }
0x9f: {  	v3 =	vadd.s32 $0xFFFFFFFF, v3;
	s16 =	ssub.s32 s16, s17  }
0xa0: {  	p1 =	slt.s32 s16, $0x1  }
.Ltmp9:
0xa1: {  	_ = 	snop;
	(pc) =	sbr.rel @p1 .LBB2_16-.Ltmp9, $3  }
0xa2: {  	_ =	sdelay $0x1  }
0xa3: {  	[tilespmem:v3+s12+$0x0] =	vst.idx.msk vm0, v6;
	s18 =	simm.s32 $0x8000  }
0xa4: {  	v3 =	vimm.s32 $0x0;
	[tilespmem:v4+s18+$0x0] =	vst.idx.msk $0xffff, v2  }
0xa5: {  	v4 =	vld [tilespmem:s18+$0x0];
	p2 =	sne.s32 s16, $0x1  }
.Ltmp10:
0xa6: {  	_ = 	snop;
	(pc) =	sbr.rel @!p2 .LBB2_15-.Ltmp10, $2  }
0xa7: {  	_ =	sdelay $0x2  }
0xa8: {  	s17 =	sadd.s32 $0xFFFFFFFF, s16;
	s18 =	sadd.s32 $0x10, s18;
	vm0 =	vge.f32 v4, $0.0e+00  }
.LBB2_14:
0xa9: {  	v4 =	vld [tilespmem:s18+$0x0];
	p2 =	sne.s32 s17, $0x1;
	s17 =	sadd.s32 $0xFFFFFFFF, s17;
	v5 =	vsel vm0, $0x1, v0  }
.Ltmp11:
0xaa: {  	v3 =	vadd.s32 v5, v3;
	(pc) =	sbr.rel @p2 .LBB2_14-.Ltmp11, $2  }
0xab: {  	_ =	sdelay $0x2  }
0xac: {  	s18 =	sadd.s32 $0x10, s18;
	vm0 =	vge.f32 v4, $0.0e+00  }
.LBB2_15:
0xad: {  	v4 =	vsel vm0, $0x1, v0  }
0xae: {  	v3 =	vadd.s32 v4, v3  }
.LBB2_16:
0xaf: {  	(xrf0) =	vadd.scan.msk.s32 $0xffff, v3;
	_ =	sdelay $0x5  }
0xb0: {  	v3, _, _ =	vpop (xrf0)  }
0xb1: {  	(v2sf) =	vpush v3, $0xF;
	_ =	sdelay $0xc  }
.Ltmp12:
0xb2: {  	_ = 	snop;
	(pc) =	sbr.rel .LBB2_17-.Ltmp12, $4  }
0xb3: {  	_ = 	snop  }
0xb4: {  	s17 =	spop (v2sf)  }
0xb5: {  	p2 =	sgt.s32 s17, $0x1FF;
	s17 =	simm.s32 $0x0  }
0xb6: {  	s18 =	simm.s32 $0x0;
	s17 =	simm.s32 @!p2 $0x80000000  }
.LBB2_20:
0xb7: {  	v4 =	vsel vm0, $0x1, v0  }
0xb8: {  	v3 =	vadd.s32 v4, v3  }
.LBB2_21:
0xb9: {  	(xrf0) =	vadd.scan.msk.s32 $0xffff, v3;
	_ =	sdelay $0x5  }
0xba: {  	v3, _, _ =	vpop (xrf0)  }
0xbb: {  	(v2sf) =	vpush v3, $0xF;
	_ =	sdelay $0xa  }
0xbc: {  	s18 =	sadd.s32 $0x1, s18  }
0xbd: {  	p3 =	sne.s32 s18, $0x1F  }
.Ltmp13:
0xbe: {  	_ = 	snop;
	(pc) =	sbr.rel @!p3 .LBB2_22-.Ltmp13, $4  }
0xbf: {  	_ = 	snop  }
0xc0: {  	s20 =	spop (v2sf)  }
0xc1: {  	p2 =	sgt.s32 s20, $0x1FF  }
0xc2: {  	s17 =	smov.u32 @p2 s19  }
.LBB2_17:
.Ltmp14:
0xc3: {  	(pc) =	sbr.rel @p1 .LBB2_21-.Ltmp14, $3  }
0xc4: {  	_ =	sdelay $0x1  }
0xc5: {  	s19 =	sshrl.u32 s11, s18  }
0xc6: {  	v3 =	vimm.s32 $0x0;
	s19 =	sor.u32 s19, s17  }
0xc7: {  	s20 =	simm.s32 $0x8000  }
0xc8: {  	p2 =	sne.s32 s16, $0x1;
	v5 =	vld [tilespmem:s20+$0x0]  }
.Ltmp15:
0xc9: {  	v4 =	vmov s19;
	(pc) =	sbr.rel @!p2 .LBB2_20-.Ltmp15, $4  }
0xca: {  	v4 =	vshra.s32 v4, $0x1F  }
0xcb: {  	v4 =	vand.u32 $0x7FFFFFFF, v4  }
0xcc: {  	v4 =	vxor.u32 s19, v4  }
0xcd: {  	s21 =	simm.s32 $0x8010;
	s20 =	sadd.s32 $0xFFFFFFFF, s16;
	vm0 =	vge.f32 v5, v4  }
.LBB2_19:
0xce: {  	v5 =	vld [tilespmem:s21+$0x0];
	p2 =	sne.s32 s20, $0x1;
	s20 =	sadd.s32 $0xFFFFFFFF, s20;
	v6 =	vsel vm0, $0x1, v0  }
.Ltmp16:
0xcf: {  	v3 =	vadd.s32 v6, v3;
	(pc) =	sbr.rel @p2 .LBB2_19-.Ltmp16, $2  }
0xd0: {  	_ =	sdelay $0x2  }
0xd1: {  	s21 =	sadd.s32 $0x10, s21;
	vm0 =	vge.f32 v5, v4  }
.Ltmp17:
0xd2: {  	_ = 	snop;
	(pc) =	sbr.rel .LBB2_20-.Ltmp17, $1  }
0xd3: {  	_ =	sdelay $0x3  }
.LBB2_24:
0xd4: {  	_ =	sfence.sel $0x180000  }
0xd5: {  	[bflag:$0x0] =	sbarrier.arrive $0xFFFF  }
0xd6: {  	p0 =	sne.s32 s2, $0x0;
	_ =	strace $0x90000047  }
0xd7: {  	s0 =	sadd.s32 @!p0 $0x100000, s0;
	[bflag:$0x2] =	sbarrier.arrive $0xFFFF  }
0xd8: {  	[sflag:s0] =	ssyncadd.tile.s32 @!p0 $0x1;
	_ =	shalt  }
.Lfunc_end2:
_tile_overlayer_lowered:
.L_overlay_start_2:
0xd9: {  	(tag) =	ssettag $0x2  }
0xda: {  	s0 =	rddreg [dreg:$0x0];
	s2 =	stileid.u32  }
0xdb: {  	s1 =	rddreg [dreg:$0x1];
	p0 =	sne.s32 s2, $0x0  }
0xdc: {  	s3 =	rddreg [dreg:$0x2];
	[bflag:$0x3] =	sbarrier.arrive $0xFFFF;
	s2 =	simm.s32 @!p0 $0x1C02  }
0xdd: {  	[timem:s3], [sflag:s2] =	dma.local @!p0 [hbm:s0], s1  }
0xde: {  	s0 =	simm.s32 @!p0 $0x2  }
0xdf: {  	_ =	swait.ge @!p0 [sflag:s0], s1  }
0xe0: {  	s1 =	ssub.s32 @!p0 $0x0, s1;
	[sflag:s0] =	ssyncset.done @!p0 $0x0  }
0xe1: {  	[sflag:s0] =	ssyncadd.s32 @!p0 s1  }
0xe2: {  	[bflag:$0x3] =	sbarrier.arrive $0xFFFF  }
0xe3: {  	_ =	shalt  }

</sc_bundles>
